<compile_context>
chip_gen: v7x
topology: tpu7x:2x2x1
jax: 0.10.2.dev20260603
libtpu: 0.0.44.dev20260713+nightly
codegen_flags: <defaults>
</compile_context>

<pallas_src>
import jax
import jax.numpy as jnp
import numpy as np
from jax import lax
from jax.experimental import pallas as pl
from jax.experimental.pallas import tpu as pltpu
from jax.experimental.pallas import tpu_sc as plsc

N_AGENTS = 16
N_ACTIONS = 8
SAMPLE_SIZE = 8
STATE_DIM = 64
EMBED = 64
B_TOTAL = 1024
BB = 128
GRID = B_TOTAL // BB
R = BB * SAMPLE_SIZE
ROWS = R * N_AGENTS
SJ = SAMPLE_SIZE * N_AGENTS
RTOT = B_TOTAL * SAMPLE_SIZE
NW = 32
RPW = RTOT // NW
WORDS_PW = RPW * N_AGENTS
OUT_PW = RPW * 128

_TRIL = ((np.arange(SJ)[None, :] // N_ACTIONS) <=
         np.arange(N_AGENTS)[:, None]).astype(np.float32)


def _sc_gather_body(aq_hbm, idx_hbm, out_hbm, aq_v, idx_v, out_v):
    wid = lax.axis_index("s") * 2 + lax.axis_index("c")
    pltpu.sync_copy(aq_hbm.at[pl.ds(wid * WORDS_PW, WORDS_PW)], aq_v)
    pltpu.sync_copy(idx_hbm.at[pl.ds(wid * WORDS_PW, WORDS_PW)], idx_v)

    def body(r, carry):
        base = idx_v[pl.ds(r * N_AGENTS, N_AGENTS)]
        col = r * 128 + lax.iota(jnp.int32, N_AGENTS) * N_ACTIONS
        for c in range(N_ACTIONS):
            vals = plsc.load_gather(aq_v, (base + c,))
            plsc.store_scatter(out_v, (col + c,), vals)
        return carry

    lax.fori_loop(0, RPW, body, 0)
    pltpu.sync_copy(out_v, out_hbm.at[pl.ds(wid * OUT_PW, OUT_PW)])


def _sc_gather(aq_flat, widx):
    mesh = plsc.VectorSubcoreMesh(core_axis_name="c", subcore_axis_name="s",
                                  num_cores=2, num_subcores=16)
    fn = pl.kernel(
        _sc_gather_body,
        out_type=jax.ShapeDtypeStruct((RTOT * 128,), jnp.float32),
        mesh=mesh,
        compiler_params=pltpu.CompilerParams(needs_layout_passes=False),
        scratch_types=[
            pltpu.VMEM((WORDS_PW,), jnp.float32),
            pltpu.VMEM((WORDS_PW,), jnp.int32),
            pltpu.VMEM((OUT_PW,), jnp.float32),
        ],
    )
    return fn(aq_flat, widx)


def _mixer_block(pf_ref, gl_ref, st_ref, tril_ref,
                 w1s_ref, w1a_ref, b1_ref, w2_ref, b2_ref, w3_ref, b3_ref,
                 vw1_ref, vb1_ref, vw2_ref, vb2_ref, out_ref):
    f32 = jnp.float32
    pflat3 = pf_ref[:]
    gl = gl_ref[:]
    st = st_ref[:]

    xmask = (pflat3[:, :, None, :] *
             tril_ref[:][None, None]).reshape(ROWS, SJ)

    sp = jnp.dot(st, w1s_ref[:], preferred_element_type=f32)
    hpre = jnp.dot(xmask, w1a_ref[:], preferred_element_type=f32)
    h1 = jnp.maximum(
        hpre.reshape(BB, SAMPLE_SIZE, N_AGENTS, EMBED)
        + sp[:, None, None, :] + b1_ref[:], 0.0).reshape(ROWS, EMBED)
    h2 = jnp.maximum(jnp.dot(h1, w2_ref[:], preferred_element_type=f32)
                     + b2_ref[:], 0.0)

    tt = lax.dot_general(h2.reshape(BB, SJ, EMBED), gl,
                         (((1,), (1,)), ((0,), (0,))),
                         preferred_element_type=f32)
    shap = (jnp.sum(tt * w3_ref[:][None], axis=1)
            * (1.0 / SAMPLE_SIZE) + b3_ref[:])

    hv = jnp.maximum(jnp.dot(st, vw1_ref[:], preferred_element_type=f32)
                     + vb1_ref[:], 0.0)
    vs = jnp.sum(hv * vw2_ref[:], axis=1, keepdims=True) + vb2_ref[:]
    out_ref[:] = shap + vs


def kernel(states, agent_qs, W1, b1, W2, b2, W3, b3, VW1, Vb1, VW2, Vb2):
    f32 = jnp.float32
    bs0, t = states.shape[0], states.shape[1]

    u = jax.random.uniform(jax.random.key(42), (RTOT, N_AGENTS))
    pos = jnp.argsort(u, axis=1)
    perm = jnp.argsort(pos, axis=1).astype(jnp.int32)
    b_loc = ((jnp.arange(RTOT) // SAMPLE_SIZE) -
             (jnp.arange(RTOT) // RPW) * (RPW // SAMPLE_SIZE))[:, None]
    widx = ((b_loc * N_AGENTS + perm) * N_ACTIONS).astype(jnp.int32)
    widx = widx.reshape(RTOT * N_AGENTS)
    permp = perm.reshape(B_TOTAL, SJ)
    gl_const = (permp[:, :, None] ==
                jnp.arange(N_AGENTS)[None, None, :]).astype(f32)

    aq_flat = agent_qs.reshape(B_TOTAL * N_AGENTS * N_ACTIONS)
    pflat = _sc_gather(aq_flat, widx).reshape(B_TOTAL, SAMPLE_SIZE, SJ)

    states_r = states.reshape(B_TOTAL, STATE_DIM)
    row = lambda v: v.reshape(1, -1).astype(f32)
    const = lambda shape: pl.BlockSpec(shape, lambda i: tuple(0 for _ in shape))

    out = pl.pallas_call(
        _mixer_block,
        grid=(GRID,),
        in_specs=[
            pl.BlockSpec((BB, SAMPLE_SIZE, SJ), lambda i: (i, 0, 0)),
            pl.BlockSpec((BB, SJ, N_AGENTS), lambda i: (i, 0, 0)),
            pl.BlockSpec((BB, STATE_DIM), lambda i: (i, 0)),
            const((N_AGENTS, SJ)),
            const((STATE_DIM, EMBED)),
            const((N_AGENTS * N_ACTIONS, EMBED)),
            const((1, EMBED)),
            const((EMBED, EMBED)),
            const((1, EMBED)),
            const((EMBED, 1)),
            const((1, 1)),
            const((STATE_DIM, EMBED)),
            const((1, EMBED)),
            const((1, EMBED)),
            const((1, 1)),
        ],
        out_specs=pl.BlockSpec((BB, N_AGENTS), lambda i: (i, 0)),
        out_shape=jax.ShapeDtypeStruct((B_TOTAL, N_AGENTS), f32),
    )(pflat, gl_const, states_r, _TRIL, W1[:, :STATE_DIM].T,
      W1[:, STATE_DIM:].T, row(b1),
      W2.T, row(b2), W3.reshape(-1, 1).astype(f32),
      jnp.reshape(b3, (1, 1)).astype(f32), VW1.T, row(Vb1), row(VW2),
      jnp.reshape(Vb2, (1, 1)).astype(f32))
    return out.reshape(bs0, t, N_AGENTS)

# --- scband reference (transcript-rebuilt; emitter-appended) ---
"""Pipeline reference for scband-sqddpgmixer-35270271435554 (READ-ONLY COPY).

The authoritative reference and input builder live on the scoring server;
editing this copy changes nothing except your own understanding.
"""

import jax, jax.numpy as jnp
import numpy as np

N_AGENTS = 16
N_ACTIONS = 8
SAMPLE_SIZE = 8
STATE_DIM = 64
EMBED = 64
INPUT_DIM = N_AGENTS * N_ACTIONS + STATE_DIM


def _lin_init(k, out_d, in_d):
    kw, kb = jax.random.split(k)
    lim = 1.0 / np.sqrt(in_d)
    W = jax.random.uniform(kw, (out_d, in_d), minval=-lim, maxval=lim, dtype=jnp.float32)
    b = jax.random.uniform(kb, (out_d,), minval=-lim, maxval=lim, dtype=jnp.float32)
    return W, b


def setup_inputs(seed: int = 0) -> dict:
    key = jax.random.key(seed)
    ks = jax.random.split(key, 8)
    states = jax.random.normal(ks[0], (32, 32, STATE_DIM), dtype=jnp.float32)
    agent_qs = jax.random.normal(ks[1], (32, 32, N_AGENTS * N_ACTIONS), dtype=jnp.float32)
    W1, b1 = _lin_init(ks[2], EMBED, INPUT_DIM)
    W2, b2 = _lin_init(ks[3], EMBED, EMBED)
    W3, b3 = _lin_init(ks[4], 1, EMBED)
    VW1, Vb1 = _lin_init(ks[5], EMBED, STATE_DIM)
    VW2, Vb2 = _lin_init(ks[6], 1, EMBED)
    return {"states": states, "agent_qs": agent_qs,
            "W1": W1, "b1": b1, "W2": W2, "b2": b2, "W3": W3, "b3": b3,
            "VW1": VW1, "Vb1": Vb1, "VW2": VW2, "Vb2": Vb2}


def _sample_grandcoalitions(B):
    n, S = N_AGENTS, SAMPLE_SIZE
    key = jax.random.key(42)
    u = jax.random.uniform(key, (B * S, n))
    grand_coalitions_pos = jnp.argsort(u, axis=1)  # random permutation per row (multinomial w/o replacement)
    individual_map = jax.nn.one_hot(grand_coalitions_pos.reshape(-1), n, dtype=jnp.float32)
    individual_map = individual_map.reshape(B, S, n, n)
    seq_set = jnp.tril(jnp.ones((n, n), dtype=jnp.float32))
    subcoalition_map = jnp.matmul(individual_map, seq_set)
    # inverse permutation: grand_coalitions[pos[i]] = i  ->  argsort of pos
    grand_coalitions = jnp.argsort(grand_coalitions_pos, axis=1)
    grand_coalitions = jnp.broadcast_to(grand_coalitions[:, None, :], (B * S, n, n)).reshape(B, S, n, n)
    return subcoalition_map, individual_map, grand_coalitions


def _central_ff(agent_qs_flat, states_flat, W1, b1, W2, b2, W3, b3, VW1, Vb1, VW2, Vb2):
    inputs = jnp.concatenate([states_flat, agent_qs_flat], axis=1)
    h = jax.nn.relu(inputs @ W1.T + b1)
    h = jax.nn.relu(h @ W2.T + b2)
    advs = h @ W3.T + b3
    hv = jax.nn.relu(states_flat @ VW1.T + Vb1)
    vs = hv @ VW2.T + Vb2
    return advs + vs  # [rows, 1]


def reference(states, agent_qs, W1, b1, W2, b2, W3, b3, VW1, Vb1, VW2, Vb2):
    n, a, S = N_AGENTS, N_ACTIONS, SAMPLE_SIZE
    bs0, t = states.shape[0], states.shape[1]
    states_r = states.reshape(-1, STATE_DIM)           # [B, state_dim]
    aq = agent_qs.reshape(-1, n, a)                    # [B, n, a]
    B = states_r.shape[0]
    sub, ind, gc = _sample_grandcoalitions(B)
    gc5 = jnp.broadcast_to(gc[..., None], (B, S, n, n, a))
    sub_no_i5 = (sub - ind)[..., None]
    ind5 = ind[..., None]
    aq_exp = jnp.broadcast_to(aq[:, None, None, :, :], (B, S, n, n, a))
    reshaped_aq = jnp.take_along_axis(aq_exp, gc5, axis=3)
    aq_coal_no_i = reshaped_aq * sub_no_i5
    aq_coal_i = reshaped_aq * ind5
    aq_coal = jax.lax.stop_gradient(aq_coal_no_i) + aq_coal_i
    coal_flat = aq_coal.reshape(-1, n * a)
    st_flat = jnp.broadcast_to(states_r[:, None, None, :], (B, S, n, STATE_DIM)).reshape(-1, STATE_DIM)
    mc = _central_ff(coal_flat, st_flat, W1, b1, W2, b2, W3, b3, VW1, Vb1, VW2, Vb2)
    mc = mc.reshape(B, S, n)
    shapley = mc.mean(axis=1)                          # [B, n]
    return shapley.reshape(bs0, t, n)

if __name__ == "__main__":
    import jax
    _d = setup_inputs()
    print(jax.jit(kernel)(*tuple(_d.values())))

</pallas_src>

<mosaic_0001>
#map = affine_map<(d0, d1) -> (0)>
module attributes {stable_mosaic.version = 14 : i64} {
  func.func @_sc_gather_body(%arg0: i32, %arg1: i32, %arg2: memref<131072xf32, #tpu.memory_space<hbm>>, %arg3: memref<131072xi32, #tpu.memory_space<hbm>>, %arg4: memref<1048576xf32, #tpu.memory_space<hbm>>, %arg5: memref<4096xf32, #tpu.memory_space<vmem>>, %arg6: memref<4096xi32, #tpu.memory_space<vmem>>, %arg7: memref<32768xf32, #tpu.memory_space<vmem>>) attributes {dimension_semantics = [#tpu.dimension_semantics<core_parallel>, #tpu.dimension_semantics<subcore_parallel>], iteration_bounds = array<i64: 2, 16>, scalar_prefetch = 0 : i64, scratch_operands = 3 : i64, tpu.core_type = #tpu.core_type<sc_vector_subcore>, window_params = [{transform_indices = #map}, {transform_indices = #map}, {transform_indices = #map}]} {
    %mul3A = arith.constant 2 : i32
    %mul3A_0 = arith.muli %arg1, %mul3A : i32
    %add3A = arith.addi %mul3A_0, %arg0 : i32
    %mul3A_1 = arith.constant 4096 : i32
    %mul3A_2 = arith.muli %add3A, %mul3A_1 : i32
    "tpu.region"() ({
      %run_scoped3A = tpu.sem_alloc : memref<!tpu.dma_semaphore, #tpu.memory_space<semaphore_mem>>
      %dma_start3A = tpu.memref_slice %arg2[%mul3A_2] : memref<131072xf32, #tpu.memory_space<hbm>> -> memref<4096xf32, #tpu.memory_space<hbm>>
      %dma_start3A_12 = tpu.memref_slice %arg2[%mul3A_2] : memref<131072xf32, #tpu.memory_space<hbm>> -> memref<4096xf32, #tpu.memory_space<hbm>>
      tpu.enqueue_dma source(%dma_start3A_12 : memref<4096xf32, #tpu.memory_space<hbm>>) target(%arg5 : memref<4096xf32, #tpu.memory_space<vmem>>) target_semaphore(%run_scoped3A : memref<!tpu.dma_semaphore, #tpu.memory_space<semaphore_mem>>)
      %dma_wait3A = tpu.memref_slice %arg2[%mul3A_2] : memref<131072xf32, #tpu.memory_space<hbm>> -> memref<4096xf32, #tpu.memory_space<hbm>>
      %dma_wait3A_13 = tpu.memref_slice %arg2[%mul3A_2] : memref<131072xf32, #tpu.memory_space<hbm>> -> memref<4096xf32, #tpu.memory_space<hbm>>
      tpu.wait_dma2 semaphore(%run_scoped3A : memref<!tpu.dma_semaphore, #tpu.memory_space<semaphore_mem>>) src(%dma_wait3A_13 : memref<4096xf32, #tpu.memory_space<hbm>>) dst(%arg5 : memref<4096xf32, #tpu.memory_space<vmem>>)
      tpu.yield
    }) : () -> ()
    %mul3A_3 = arith.constant 4096 : i32
    %mul3A_4 = arith.muli %add3A, %mul3A_3 : i32
    "tpu.region"() ({
      %run_scoped3A = tpu.sem_alloc : memref<!tpu.dma_semaphore, #tpu.memory_space<semaphore_mem>>
      %dma_start3A = tpu.memref_slice %arg3[%mul3A_4] : memref<131072xi32, #tpu.memory_space<hbm>> -> memref<4096xi32, #tpu.memory_space<hbm>>
      %dma_start3A_12 = tpu.memref_slice %arg3[%mul3A_4] : memref<131072xi32, #tpu.memory_space<hbm>> -> memref<4096xi32, #tpu.memory_space<hbm>>
      tpu.enqueue_dma source(%dma_start3A_12 : memref<4096xi32, #tpu.memory_space<hbm>>) target(%arg6 : memref<4096xi32, #tpu.memory_space<vmem>>) target_semaphore(%run_scoped3A : memref<!tpu.dma_semaphore, #tpu.memory_space<semaphore_mem>>)
      %dma_wait3A = tpu.memref_slice %arg3[%mul3A_4] : memref<131072xi32, #tpu.memory_space<hbm>> -> memref<4096xi32, #tpu.memory_space<hbm>>
      %dma_wait3A_13 = tpu.memref_slice %arg3[%mul3A_4] : memref<131072xi32, #tpu.memory_space<hbm>> -> memref<4096xi32, #tpu.memory_space<hbm>>
      tpu.wait_dma2 semaphore(%run_scoped3A : memref<!tpu.dma_semaphore, #tpu.memory_space<semaphore_mem>>) src(%dma_wait3A_13 : memref<4096xi32, #tpu.memory_space<hbm>>) dst(%arg6 : memref<4096xi32, #tpu.memory_space<vmem>>)
      tpu.yield
    }) : () -> ()
    %scan3A = arith.constant 0 : i32
    %scan3A_5 = arith.constant 0 : i32
    %scan3A_6 = arith.constant 256 : i32
    %scan3A_7 = arith.addi %scan3A_5, %scan3A_6 : i32
    %scan3A_8 = arith.constant 1 : i32
    scf.for %scan3A_12 = %scan3A_5 to %scan3A_7 step %scan3A_8  : i32 {
      %mul3A_13 = arith.constant 16 : i32
      %mul3A_14 = arith.muli %scan3A_12, %mul3A_13 : i32
      %get3A = arith.index_cast %mul3A_14 : i32 to index
      %get3A_15 = tpu.vector_load %arg6[%get3A] {strides = array<i32>} : memref<4096xi32, #tpu.memory_space<vmem>>, vector<16xi32>,
      %mul3A_16 = arith.constant 128 : i32
      %mul3A_17 = arith.muli %scan3A_12, %mul3A_16 : i32
      %iota3A = tpu.iota {dimensions = array<i32: 0>} : vector<16xi32>
      %mul3A_18 = arith.constant 8 : i32
      %mul3A_19 = vector.broadcast %mul3A_18 : i32 to vector<16xi32>
      %mul3A_20 = arith.muli %iota3A, %mul3A_19 : vector<16xi32>
      %add3A_21 = vector.broadcast %mul3A_17 : i32 to vector<16xi32>
      %add3A_22 = arith.addi %add3A_21, %mul3A_20 : vector<16xi32>
      %add3A_23 = arith.constant 0 : i32
      %add3A_24 = vector.broadcast %add3A_23 : i32 to vector<16xi32>
      %add3A_25 = arith.addi %get3A_15, %add3A_24 : vector<16xi32>
      %gather3A = tpu.vector_load_idx %arg5[%add3A_25] : memref<4096xf32, #tpu.memory_space<vmem>>[vector<16xi32>], vector<16xf32>,
      %add3A_26 = arith.constant 0 : i32
      %add3A_27 = vector.broadcast %add3A_26 : i32 to vector<16xi32>
      %add3A_28 = arith.addi %add3A_22, %add3A_27 : vector<16xi32>
      tpu.vector_store_idx %arg7[%add3A_28], %gather3A : memref<32768xf32, #tpu.memory_space<vmem>>[vector<16xi32>], vector<16xf32>,
      %add3A_29 = arith.constant 1 : i32
      %add3A_30 = vector.broadcast %add3A_29 : i32 to vector<16xi32>
      %add3A_31 = arith.addi %get3A_15, %add3A_30 : vector<16xi32>
      %gather3A_32 = tpu.vector_load_idx %arg5[%add3A_31] : memref<4096xf32, #tpu.memory_space<vmem>>[vector<16xi32>], vector<16xf32>,
      %add3A_33 = arith.constant 1 : i32
      %add3A_34 = vector.broadcast %add3A_33 : i32 to vector<16xi32>
      %add3A_35 = arith.addi %add3A_22, %add3A_34 : vector<16xi32>
      tpu.vector_store_idx %arg7[%add3A_35], %gather3A_32 : memref<32768xf32, #tpu.memory_space<vmem>>[vector<16xi32>], vector<16xf32>,
      %add3A_36 = arith.constant 2 : i32
      %add3A_37 = vector.broadcast %add3A_36 : i32 to vector<16xi32>
      %add3A_38 = arith.addi %get3A_15, %add3A_37 : vector<16xi32>
      %gather3A_39 = tpu.vector_load_idx %arg5[%add3A_38] : memref<4096xf32, #tpu.memory_space<vmem>>[vector<16xi32>], vector<16xf32>,
      %add3A_40 = arith.constant 2 : i32
      %add3A_41 = vector.broadcast %add3A_40 : i32 to vector<16xi32>
      %add3A_42 = arith.addi %add3A_22, %add3A_41 : vector<16xi32>
      tpu.vector_store_idx %arg7[%add3A_42], %gather3A_39 : memref<32768xf32, #tpu.memory_space<vmem>>[vector<16xi32>], vector<16xf32>,
      %add3A_43 = arith.constant 3 : i32
      %add3A_44 = vector.broadcast %add3A_43 : i32 to vector<16xi32>
      %add3A_45 = arith.addi %get3A_15, %add3A_44 : vector<16xi32>
      %gather3A_46 = tpu.vector_load_idx %arg5[%add3A_45] : memref<4096xf32, #tpu.memory_space<vmem>>[vector<16xi32>], vector<16xf32>,
      %add3A_47 = arith.constant 3 : i32
      %add3A_48 = vector.broadcast %add3A_47 : i32 to vector<16xi32>
      %add3A_49 = arith.addi %add3A_22, %add3A_48 : vector<16xi32>
      tpu.vector_store_idx %arg7[%add3A_49], %gather3A_46 : memref<32768xf32, #tpu.memory_space<vmem>>[vector<16xi32>], vector<16xf32>,
      %add3A_50 = arith.constant 4 : i32
      %add3A_51 = vector.broadcast %add3A_50 : i32 to vector<16xi32>
      %add3A_52 = arith.addi %get3A_15, %add3A_51 : vector<16xi32>
      %gather3A_53 = tpu.vector_load_idx %arg5[%add3A_52] : memref<4096xf32, #tpu.memory_space<vmem>>[vector<16xi32>], vector<16xf32>,
      %add3A_54 = arith.constant 4 : i32
      %add3A_55 = vector.broadcast %add3A_54 : i32 to vector<16xi32>
      %add3A_56 = arith.addi %add3A_22, %add3A_55 : vector<16xi32>
      tpu.vector_store_idx %arg7[%add3A_56], %gather3A_53 : memref<32768xf32, #tpu.memory_space<vmem>>[vector<16xi32>], vector<16xf32>,
      %add3A_57 = arith.constant 5 : i32
      %add3A_58 = vector.broadcast %add3A_57 : i32 to vector<16xi32>
      %add3A_59 = arith.addi %get3A_15, %add3A_58 : vector<16xi32>
      %gather3A_60 = tpu.vector_load_idx %arg5[%add3A_59] : memref<4096xf32, #tpu.memory_space<vmem>>[vector<16xi32>], vector<16xf32>,
      %add3A_61 = arith.constant 5 : i32
      %add3A_62 = vector.broadcast %add3A_61 : i32 to vector<16xi32>
      %add3A_63 = arith.addi %add3A_22, %add3A_62 : vector<16xi32>
      tpu.vector_store_idx %arg7[%add3A_63], %gather3A_60 : memref<32768xf32, #tpu.memory_space<vmem>>[vector<16xi32>], vector<16xf32>,
      %add3A_64 = arith.constant 6 : i32
      %add3A_65 = vector.broadcast %add3A_64 : i32 to vector<16xi32>
      %add3A_66 = arith.addi %get3A_15, %add3A_65 : vector<16xi32>
      %gather3A_67 = tpu.vector_load_idx %arg5[%add3A_66] : memref<4096xf32, #tpu.memory_space<vmem>>[vector<16xi32>], vector<16xf32>,
      %add3A_68 = arith.constant 6 : i32
      %add3A_69 = vector.broadcast %add3A_68 : i32 to vector<16xi32>
      %add3A_70 = arith.addi %add3A_22, %add3A_69 : vector<16xi32>
      tpu.vector_store_idx %arg7[%add3A_70], %gather3A_67 : memref<32768xf32, #tpu.memory_space<vmem>>[vector<16xi32>], vector<16xf32>,
      %add3A_71 = arith.constant 7 : i32
      %add3A_72 = vector.broadcast %add3A_71 : i32 to vector<16xi32>
      %add3A_73 = arith.addi %get3A_15, %add3A_72 : vector<16xi32>
      %gather3A_74 = tpu.vector_load_idx %arg5[%add3A_73] : memref<4096xf32, #tpu.memory_space<vmem>>[vector<16xi32>], vector<16xf32>,
      %add3A_75 = arith.constant 7 : i32
      %add3A_76 = vector.broadcast %add3A_75 : i32 to vector<16xi32>
      %add3A_77 = arith.addi %add3A_22, %add3A_76 : vector<16xi32>
      tpu.vector_store_idx %arg7[%add3A_77], %gather3A_74 : memref<32768xf32, #tpu.memory_space<vmem>>[vector<16xi32>], vector<16xf32>,
    }
    %scan3A_9 = arith.constant 256 : i32
    %mul3A_10 = arith.constant 32768 : i32
    %mul3A_11 = arith.muli %add3A, %mul3A_10 : i32
    "tpu.region"() ({
      %run_scoped3A = tpu.sem_alloc : memref<!tpu.dma_semaphore, #tpu.memory_space<semaphore_mem>>
      %dma_start3A = tpu.memref_slice %arg4[%mul3A_11] : memref<1048576xf32, #tpu.memory_space<hbm>> -> memref<32768xf32, #tpu.memory_space<hbm>>
      %dma_start3A_12 = tpu.memref_slice %arg4[%mul3A_11] : memref<1048576xf32, #tpu.memory_space<hbm>> -> memref<32768xf32, #tpu.memory_space<hbm>>
      tpu.enqueue_dma source(%arg7 : memref<32768xf32, #tpu.memory_space<vmem>>) target(%dma_start3A_12 : memref<32768xf32, #tpu.memory_space<hbm>>) target_semaphore(%run_scoped3A : memref<!tpu.dma_semaphore, #tpu.memory_space<semaphore_mem>>)
      %dma_wait3A = tpu.memref_slice %arg4[%mul3A_11] : memref<1048576xf32, #tpu.memory_space<hbm>> -> memref<32768xf32, #tpu.memory_space<hbm>>
      %dma_wait3A_13 = tpu.memref_slice %arg4[%mul3A_11] : memref<1048576xf32, #tpu.memory_space<hbm>> -> memref<32768xf32, #tpu.memory_space<hbm>>
      tpu.wait_dma2 semaphore(%run_scoped3A : memref<!tpu.dma_semaphore, #tpu.memory_space<semaphore_mem>>) src(%arg7 : memref<32768xf32, #tpu.memory_space<vmem>>) dst(%dma_wait3A_13 : memref<32768xf32, #tpu.memory_space<hbm>>)
      tpu.yield
    }) : () -> ()
    return
  }
}

module attributes {stable_mosaic.version = 14 : i64} {
  func.func @_mixer_block(%arg0: i32, %arg1: memref<128x8x128xf32, #tpu.memory_space<vmem>>, %arg2: memref<128x128x16xf32, #tpu.memory_space<vmem>>, %arg3: memref<128x64xf32, #tpu.memory_space<vmem>>, %arg4: memref<16x128xf32, #tpu.memory_space<vmem>>, %arg5: memref<64x64xf32, #tpu.memory_space<vmem>>, %arg6: memref<128x64xf32, #tpu.memory_space<vmem>>, %arg7: memref<1x64xf32, #tpu.memory_space<vmem>>, %arg8: memref<64x64xf32, #tpu.memory_space<vmem>>, %arg9: memref<1x64xf32, #tpu.memory_space<vmem>>, %arg10: memref<64x1xf32, #tpu.memory_space<vmem>>, %arg11: memref<1x1xf32, #tpu.memory_space<vmem>>, %arg12: memref<64x64xf32, #tpu.memory_space<vmem>>, %arg13: memref<1x64xf32, #tpu.memory_space<vmem>>, %arg14: memref<1x64xf32, #tpu.memory_space<vmem>>, %arg15: memref<1x1xf32, #tpu.memory_space<vmem>>, %arg16: memref<128x16xf32, #tpu.memory_space<vmem>>) attributes {dimension_semantics = [#tpu.dimension_semantics<arbitrary>], iteration_bounds = array<i64: 8>, scalar_prefetch = 0 : i64, scratch_operands = 0 : i64, tpu.core_type = #tpu.core_type<tc>, window_params = [{transform_indices = @transform_0, window_bounds = array<i64: 128, 8, 128>}, {transform_indices = @transform_1, window_bounds = array<i64: 128, 128, 16>}, {transform_indices = @transform_2, window_bounds = array<i64: 128, 64>}, {pipeline_mode = #tpu.pipeline_mode<synchronous>, transform_indices = @transform_3, window_bounds = array<i64: 16, 128>}, {pipeline_mode = #tpu.pipeline_mode<synchronous>, transform_indices = @transform_4, window_bounds = array<i64: 64, 64>}, {pipeline_mode = #tpu.pipeline_mode<synchronous>, transform_indices = @transform_5, window_bounds = array<i64: 128, 64>}, {pipeline_mode = #tpu.pipeline_mode<synchronous>, transform_indices = @transform_6, window_bounds = array<i64: 1, 64>}, {pipeline_mode = #tpu.pipeline_mode<synchronous>, transform_indices = @transform_7, window_bounds = array<i64: 64, 64>}, {pipeline_mode = #tpu.pipeline_mode<synchronous>, transform_indices = @transform_8, window_bounds = array<i64: 1, 64>}, {pipeline_mode = #tpu.pipeline_mode<synchronous>, transform_indices = @transform_9, window_bounds = array<i64: 64, 1>}, {pipeline_mode = #tpu.pipeline_mode<synchronous>, transform_indices = @transform_10, window_bounds = array<i64: 1, 1>}, {pipeline_mode = #tpu.pipeline_mode<synchronous>, transform_indices = @transform_11, window_bounds = array<i64: 64, 64>}, {pipeline_mode = #tpu.pipeline_mode<synchronous>, transform_indices = @transform_12, window_bounds = array<i64: 1, 64>}, {pipeline_mode = #tpu.pipeline_mode<synchronous>, transform_indices = @transform_13, window_bounds = array<i64: 1, 64>}, {pipeline_mode = #tpu.pipeline_mode<synchronous>, transform_indices = @transform_14, window_bounds = array<i64: 1, 1>}, {transform_indices = @transform_15, window_bounds = array<i64: 128, 16>}]} {
    %get3A = arith.constant 0 : index
    %get3A_0 = arith.constant 0 : index
    %get3A_1 = arith.constant 0 : index
    %get3A_2 = vector.load %arg1[%get3A, %get3A_0, %get3A_1] : memref<128x8x128xf32, #tpu.memory_space<vmem>>, vector<128x8x128xf32>
    %get3A_3 = arith.constant 0 : index
    %get3A_4 = arith.constant 0 : index
    %get3A_5 = arith.constant 0 : index
    %get3A_6 = vector.load %arg2[%get3A_3, %get3A_4, %get3A_5] : memref<128x128x16xf32, #tpu.memory_space<vmem>>, vector<128x128x16xf32>
    %get3A_7 = arith.constant 0 : index
    %get3A_8 = arith.constant 0 : index
    %get3A_9 = vector.load %arg3[%get3A_7, %get3A_8] : memref<128x64xf32, #tpu.memory_space<vmem>>, vector<128x64xf32>
    %broadcast_in_dim3A = vector.shape_cast %get3A_2 : vector<128x8x128xf32> to vector<128x8x1x128xf32>
    %get3A_10 = arith.constant 0 : index
    %get3A_11 = arith.constant 0 : index
    %get3A_12 = vector.load %arg4[%get3A_10, %get3A_11] : memref<16x128xf32, #tpu.memory_space<vmem>>, vector<16x128xf32>
    %broadcast_in_dim3A_13 = vector.shape_cast %get3A_12 : vector<16x128xf32> to vector<1x1x16x128xf32>
    %mul3A = vector.broadcast %broadcast_in_dim3A : vector<128x8x1x128xf32> to vector<128x8x16x128xf32>
    %mul3A_14 = vector.broadcast %broadcast_in_dim3A_13 : vector<1x1x16x128xf32> to vector<128x8x16x128xf32>
    %mul3A_15 = arith.mulf %mul3A, %mul3A_14 : vector<128x8x16x128xf32>
    %reshape3A = vector.shape_cast %mul3A_15 : vector<128x8x16x128xf32> to vector<16384x128xf32>
    %get3A_16 = arith.constant 0 : index
    %get3A_17 = arith.constant 0 : index
    %get3A_18 = vector.load %arg5[%get3A_16, %get3A_17] : memref<64x64xf32, #tpu.memory_space<vmem>>, vector<64x64xf32>
    %dot_general3A = arith.constant dense<0.000000e+00> : vector<128x64xf32>
    %dot_general3A_19 = tpu.matmul %get3A_9, %get3A_18, %dot_general3A {dimension_numbers = #tpu.dot_dimension_numbers<[1], [0], [0], [1], [0, 0, 1, 1], [], []>, transpose_lhs_hint = false} : vector<128x64xf32>, vector<64x64xf32>, vector<128x64xf32> -> vector<128x64xf32>
    %get3A_20 = arith.constant 0 : index
    %get3A_21 = arith.constant 0 : index
    %get3A_22 = vector.load %arg6[%get3A_20, %get3A_21] : memref<128x64xf32, #tpu.memory_space<vmem>>, vector<128x64xf32>
    %dot_general3A_23 = arith.constant dense<0.000000e+00> : vector<16384x64xf32>
    %dot_general3A_24 = tpu.matmul %reshape3A, %get3A_22, %dot_general3A_23 {dimension_numbers = #tpu.dot_dimension_numbers<[1], [0], [0], [1], [0, 0, 1, 1], [], []>, transpose_lhs_hint = false} : vector<16384x128xf32>, vector<128x64xf32>, vector<16384x64xf32> -> vector<16384x64xf32>
    %reshape3A_25 = vector.shape_cast %dot_general3A_24 : vector<16384x64xf32> to vector<128x8x16x64xf32>
    %broadcast_in_dim3A_26 = vector.shape_cast %dot_general3A_19 : vector<128x64xf32> to vector<128x1x1x64xf32>
    %add3A = vector.broadcast %broadcast_in_dim3A_26 : vector<128x1x1x64xf32> to vector<128x8x16x64xf32>
    %add3A_27 = arith.addf %reshape3A_25, %add3A : vector<128x8x16x64xf32>
    %get3A_28 = arith.constant 0 : index
    %get3A_29 = arith.constant 0 : index
    %get3A_30 = vector.load %arg7[%get3A_28, %get3A_29] : memref<1x64xf32, #tpu.memory_space<vmem>>, vector<1x64xf32>
    %broadcast_in_dim3A_31 = vector.shape_cast %get3A_30 : vector<1x64xf32> to vector<1x1x1x64xf32>
    %add3A_32 = vector.broadcast %broadcast_in_dim3A_31 : vector<1x1x1x64xf32> to vector<128x8x16x64xf32>
    %add3A_33 = arith.addf %add3A_27, %add3A_32 : vector<128x8x16x64xf32>
    %max3A = arith.constant 0.000000e+00 : f32
    %max3A_34 = vector.broadcast %max3A : f32 to vector<128x8x16x64xf32>
    %max3A_35 = arith.maximumf %add3A_33, %max3A_34 : vector<128x8x16x64xf32>
    %reshape3A_36 = vector.shape_cast %max3A_35 : vector<128x8x16x64xf32> to vector<16384x64xf32>
    %get3A_37 = arith.constant 0 : index
    %get3A_38 = arith.constant 0 : index
    %get3A_39 = vector.load %arg8[%get3A_37, %get3A_38] : memref<64x64xf32, #tpu.memory_space<vmem>>, vector<64x64xf32>
    %dot_general3A_40 = arith.constant dense<0.000000e+00> : vector<16384x64xf32>
    %dot_general3A_41 = tpu.matmul %reshape3A_36, %get3A_39, %dot_general3A_40 {dimension_numbers = #tpu.dot_dimension_numbers<[1], [0], [0], [1], [0, 0, 1, 1], [], []>, transpose_lhs_hint = false} : vector<16384x64xf32>, vector<64x64xf32>, vector<16384x64xf32> -> vector<16384x64xf32>
    %get3A_42 = arith.constant 0 : index
    %get3A_43 = arith.constant 0 : index
    %get3A_44 = vector.load %arg9[%get3A_42, %get3A_43] : memref<1x64xf32, #tpu.memory_space<vmem>>, vector<1x64xf32>
    %add3A_45 = vector.broadcast %get3A_44 : vector<1x64xf32> to vector<16384x64xf32>
    %add3A_46 = arith.addf %dot_general3A_41, %add3A_45 : vector<16384x64xf32>
    %max3A_47 = arith.constant 0.000000e+00 : f32
    %max3A_48 = vector.broadcast %max3A_47 : f32 to vector<16384x64xf32>
    %max3A_49 = arith.maximumf %add3A_46, %max3A_48 : vector<16384x64xf32>
    %reshape3A_50 = vector.shape_cast %max3A_49 : vector<16384x64xf32> to vector<128x128x64xf32>
    %dot_general3A_51 = arith.constant dense<0.000000e+00> : vector<128x64x16xf32>
    %dot_general3A_52 = tpu.matmul %reshape3A_50, %get3A_6, %dot_general3A_51 {dimension_numbers = #tpu.dot_dimension_numbers<[1], [1], [2], [2], [0, 0, 0, 2, 1, 2], [0], [0]>, transpose_lhs_hint = false} : vector<128x128x64xf32>, vector<128x128x16xf32>, vector<128x64x16xf32> -> vector<128x64x16xf32>
    %get3A_53 = arith.constant 0 : index
    %get3A_54 = arith.constant 0 : index
    %get3A_55 = vector.load %arg10[%get3A_53, %get3A_54] : memref<64x1xf32, #tpu.memory_space<vmem>>, vector<64x1xf32>
    %broadcast_in_dim3A_56 = vector.shape_cast %get3A_55 : vector<64x1xf32> to vector<1x64x1xf32>
    %mul3A_57 = vector.broadcast %broadcast_in_dim3A_56 : vector<1x64x1xf32> to vector<128x64x16xf32>
    %mul3A_58 = arith.mulf %dot_general3A_52, %mul3A_57 : vector<128x64x16xf32>
    %reduce_sum3A = arith.constant dense<0.000000e+00> : vector<128x16xf32>
    %reduce_sum3A_59 = vector.multi_reduction <add>, %mul3A_58, %reduce_sum3A [1] : vector<128x64x16xf32> to vector<128x16xf32>
    %mul3A_60 = arith.constant 1.250000e-01 : f32
    %mul3A_61 = vector.broadcast %mul3A_60 : f32 to vector<128x16xf32>
    %mul3A_62 = arith.mulf %reduce_sum3A_59, %mul3A_61 : vector<128x16xf32>
    %get3A_63 = arith.constant 0 : index
    %get3A_64 = arith.constant 0 : index
    %get3A_65 = vector.load %arg11[%get3A_63, %get3A_64] : memref<1x1xf32, #tpu.memory_space<vmem>>, vector<1x1xf32>
    %add3A_66 = vector.broadcast %get3A_65 : vector<1x1xf32> to vector<128x16xf32>
    %add3A_67 = arith.addf %mul3A_62, %add3A_66 : vector<128x16xf32>
    %get3A_68 = arith.constant 0 : index
    %get3A_69 = arith.constant 0 : index
    %get3A_70 = vector.load %arg12[%get3A_68, %get3A_69] : memref<64x64xf32, #tpu.memory_space<vmem>>, vector<64x64xf32>
    %dot_general3A_71 = arith.constant dense<0.000000e+00> : vector<128x64xf32>
    %dot_general3A_72 = tpu.matmul %get3A_9, %get3A_70, %dot_general3A_71 {dimension_numbers = #tpu.dot_dimension_numbers<[1], [0], [0], [1], [0, 0, 1, 1], [], []>, transpose_lhs_hint = false} : vector<128x64xf32>, vector<64x64xf32>, vector<128x64xf32> -> vector<128x64xf32>
    %get3A_73 = arith.constant 0 : index
    %get3A_74 = arith.constant 0 : index
    %get3A_75 = vector.load %arg13[%get3A_73, %get3A_74] : memref<1x64xf32, #tpu.memory_space<vmem>>, vector<1x64xf32>
    %add3A_76 = vector.broadcast %get3A_75 : vector<1x64xf32> to vector<128x64xf32>
    %add3A_77 = arith.addf %dot_general3A_72, %add3A_76 : vector<128x64xf32>
    %max3A_78 = arith.constant 0.000000e+00 : f32
    %max3A_79 = vector.broadcast %max3A_78 : f32 to vector<128x64xf32>
    %max3A_80 = arith.maximumf %add3A_77, %max3A_79 : vector<128x64xf32>
    %get3A_81 = arith.constant 0 : index
    %get3A_82 = arith.constant 0 : index
    %get3A_83 = vector.load %arg14[%get3A_81, %get3A_82] : memref<1x64xf32, #tpu.memory_space<vmem>>, vector<1x64xf32>
    %mul3A_84 = vector.broadcast %get3A_83 : vector<1x64xf32> to vector<128x64xf32>
    %mul3A_85 = arith.mulf %max3A_80, %mul3A_84 : vector<128x64xf32>
    %reduce_sum3A_86 = arith.constant dense<0.000000e+00> : vector<128xf32>
    %reduce_sum3A_87 = vector.multi_reduction <add>, %mul3A_85, %reduce_sum3A_86 [1] : vector<128x64xf32> to vector<128xf32>
    %broadcast_in_dim3A_88 = vector.shape_cast %reduce_sum3A_87 : vector<128xf32> to vector<128x1xf32>
    %get3A_89 = arith.constant 0 : index
    %get3A_90 = arith.constant 0 : index
    %get3A_91 = vector.load %arg15[%get3A_89, %get3A_90] : memref<1x1xf32, #tpu.memory_space<vmem>>, vector<1x1xf32>
    %add3A_92 = vector.broadcast %get3A_91 : vector<1x1xf32> to vector<128x1xf32>
    %add3A_93 = arith.addf %broadcast_in_dim3A_88, %add3A_92 : vector<128x1xf32>
    %add3A_94 = vector.broadcast %add3A_93 : vector<128x1xf32> to vector<128x16xf32>
    %add3A_95 = arith.addf %add3A_67, %add3A_94 : vector<128x16xf32>
    %swap3A = arith.constant 0 : index
    %swap3A_96 = arith.constant 0 : index
    %swap3A_97 = vector.load %arg16[%swap3A, %swap3A_96] : memref<128x16xf32, #tpu.memory_space<vmem>>, vector<128x16xf32>
    tpu.vector_store %arg16[%swap3A, %swap3A_96], %add3A_95 {strides = array<i32>} : memref<128x16xf32, #tpu.memory_space<vmem>>, vector<128x16xf32>,
    return
  }
  func.func @transform_0(%arg0: i32) -> (i32, i32, i32) {
    %c0_i32 = arith.constant 0 : i32
    %c0_i32_0 = arith.constant 0 : i32
    %c0_i32_1 = arith.constant 0 : i32
    return %arg0, %c0_i32, %c0_i32_0 : i32, i32, i32
  }
  func.func @transform_1(%arg0: i32) -> (i32, i32, i32) {
    %c0_i32 = arith.constant 0 : i32
    %c0_i32_0 = arith.constant 0 : i32
    %c0_i32_1 = arith.constant 0 : i32
    return %arg0, %c0_i32, %c0_i32_0 : i32, i32, i32
  }
  func.func @transform_2(%arg0: i32) -> (i32, i32) {
    %c0_i32 = arith.constant 0 : i32
    %c0_i32_0 = arith.constant 0 : i32
    return %arg0, %c0_i32 : i32, i32
  }
  func.func @transform_3(%arg0: i32) -> (i32, i32) {
    %c0_i32 = arith.constant 0 : i32
    %c0_i32_0 = arith.constant 0 : i32
    %c0_i32_1 = arith.constant 0 : i32
    return %c0_i32, %c0_i32_0 : i32, i32
  }
  func.func @transform_4(%arg0: i32) -> (i32, i32) {
    %c0_i32 = arith.constant 0 : i32
    %c0_i32_0 = arith.constant 0 : i32
    %c0_i32_1 = arith.constant 0 : i32
    return %c0_i32, %c0_i32_0 : i32, i32
  }
  func.func @transform_5(%arg0: i32) -> (i32, i32) {
    %c0_i32 = arith.constant 0 : i32
    %c0_i32_0 = arith.constant 0 : i32
    %c0_i32_1 = arith.constant 0 : i32
    return %c0_i32, %c0_i32_0 : i32, i32
  }
  func.func @transform_6(%arg0: i32) -> (i32, i32) {
    %c0_i32 = arith.constant 0 : i32
    %c0_i32_0 = arith.constant 0 : i32
    %c0_i32_1 = arith.constant 0 : i32
    return %c0_i32, %c0_i32_0 : i32, i32
  }
  func.func @transform_7(%arg0: i32) -> (i32, i32) {
    %c0_i32 = arith.constant 0 : i32
    %c0_i32_0 = arith.constant 0 : i32
    %c0_i32_1 = arith.constant 0 : i32
    return %c0_i32, %c0_i32_0 : i32, i32
  }
  func.func @transform_8(%arg0: i32) -> (i32, i32) {
    %c0_i32 = arith.constant 0 : i32
    %c0_i32_0 = arith.constant 0 : i32
    %c0_i32_1 = arith.constant 0 : i32
    return %c0_i32, %c0_i32_0 : i32, i32
  }
  func.func @transform_9(%arg0: i32) -> (i32, i32) {
    %c0_i32 = arith.constant 0 : i32
    %c0_i32_0 = arith.constant 0 : i32
    %c0_i32_1 = arith.constant 0 : i32
    return %c0_i32, %c0_i32_0 : i32, i32
  }
  func.func @transform_10(%arg0: i32) -> (i32, i32) {
    %c0_i32 = arith.constant 0 : i32
    %c0_i32_0 = arith.constant 0 : i32
    %c0_i32_1 = arith.constant 0 : i32
    return %c0_i32, %c0_i32_0 : i32, i32
  }
  func.func @transform_11(%arg0: i32) -> (i32, i32) {
    %c0_i32 = arith.constant 0 : i32
    %c0_i32_0 = arith.constant 0 : i32
    %c0_i32_1 = arith.constant 0 : i32
    return %c0_i32, %c0_i32_0 : i32, i32
  }
  func.func @transform_12(%arg0: i32) -> (i32, i32) {
    %c0_i32 = arith.constant 0 : i32
    %c0_i32_0 = arith.constant 0 : i32
    %c0_i32_1 = arith.constant 0 : i32
    return %c0_i32, %c0_i32_0 : i32, i32
  }
  func.func @transform_13(%arg0: i32) -> (i32, i32) {
    %c0_i32 = arith.constant 0 : i32
    %c0_i32_0 = arith.constant 0 : i32
    %c0_i32_1 = arith.constant 0 : i32
    return %c0_i32, %c0_i32_0 : i32, i32
  }
  func.func @transform_14(%arg0: i32) -> (i32, i32) {
    %c0_i32 = arith.constant 0 : i32
    %c0_i32_0 = arith.constant 0 : i32
    %c0_i32_1 = arith.constant 0 : i32
    return %c0_i32, %c0_i32_0 : i32, i32
  }
  func.func @transform_15(%arg0: i32) -> (i32, i32) {
    %c0_i32 = arith.constant 0 : i32
    %c0_i32_0 = arith.constant 0 : i32
    return %arg0, %c0_i32 : i32, i32
  }
}

</mosaic_0001>

<sc_bundles>
// kernel: kernel.4.cloned.1.call-start
scs
__scs_entry_jumppad:
0x0: {  	(pc) =	sbr.rel $0x88, $3  }
0x1: {  	(tag) =	ssettag $0x0;
	lr =	simm.s32 $0x1  }
0x2: {  	[smem:$0x3F95] =	sst lr;
	_ =	strace $0xD0000000  }
0x3: {  	_ = 	snop  }
0x4: {  	_ = 	snop  }
0x5: {  	_ = 	snop  }
0x6: {  	_ = 	snop  }
0x7: {  	_ = 	snop  }
__scs_overlays_trampoline_lowered:
0x8: {  	[smem:$0x3FA4] =	sst s0  }
0x9: {  	[smem:$0x3FA5] =	sst s1  }
0xa: {  	[smem:$0x3FA6] =	sst s2  }
0xb: {  	[smem:$0x3FA7] =	sst s3  }
0xc: {  	[smem:$0x3FA8] =	sst s4  }
0xd: {  	[smem:$0x3FA9] =	sst s5  }
0xe: {  	[smem:$0x3FAA] =	sst s6  }
0xf: {  	[smem:$0x3FAB] =	sst s7  }
0x10: {  	[smem:$0x3FAC] =	sst s8  }
0x11: {  	[smem:$0x3FAD] =	sst s9;
	s0 =	simm.s32 @!p0 $0x0  }
0x12: {  	s1 =	sld [smem:$0x3F93];
	s0 =	simm.s32 @p0 $0x1  }
0x13: {  	[smem:$0x3FAE] =	sst s0;
	s0 =	simm.s32 @!p1 $0x0  }
0x14: {  	s2 =	sld [smem:$0x3F92];
	s0 =	simm.s32 @p1 $0x1  }
0x15: {  	[smem:$0x3FAF] =	sst s0;
	s0 =	simm.s32 @!p2 $0x0  }
0x16: {  	s3 =	sld [smem:$0x3FDB];
	s0 =	simm.s32 @p2 $0x1  }
0x17: {  	s4 =	simm.s32 $0x1BF5;
	[smem:$0x3FB1] =	sst s0  }
0x18: {  	s0 =	sld [smem:$0x3F94];
	_ =	swait.ge [sflag:s4], $0x0  }
0x19: {  	s7 =	sld [smem:$0x3F95]  }
0x1a: {  	s8 =	sadd.s32 $0xFFFFE003, lr  }
0x1b: {  	s9 =	sadd.s32 $0xFFFFFEF7, lr;
	s5 =	simm.s32 $0xFFFFFFFF;
	p2 =	slt.u32 s8, $0xFFFFF086  }
0x1c: {  	p1 =	slt.u32 s9, $0xF7A;
	s5 =	simm.s32 @!p2 $0x0  }
0x1d: {  	s5 =	simm.s32 @p1 $0x1;
	p0 =	seq.s32 s7, s2  }
0x1e: {  	s7 =	smul.u32 @!p0 $0xF7A, s2;
	p2 =	seq.s32 @!p0 s5, $0x0  }
0x1f: {  	s9 =	smul.u32 $0xF7A, s1;
	s8 =	simm.s32 @!p0 $0x1BF5;
	p2 =	por !p2, p0  }
0x20: {  	[sflag:s8] =	ssyncset.s32 @!p0 $0xFFFFF086;
	s6 =	sadd.s32 @!p0 s3, s7;
	s7 =	simm.s32 @!p0 $0x108  }
0x21: {  	s3 =	sadd.s32 s3, s9;
	s6 =	sadd.s32 @!p0 $0x88, s6;
	s7 =	simm.s32 @p2 $0x1082  }
0x22: {  	[simem:s7], [sflag:s8] =	dma.local @!p0 [hbm:s6], $0xF7A  }
0x23: {  	s9 =	sor.u32 $0xD0000000, s2;
	s6 =	simm.s32 $0x108;
	_ =	swait.ge @!p0 [sflag:s8], $0x0  }
0x24: {  	s3 =	sadd.s32 $0x88, s3;
	s6 =	simm.s32 @!p1 $0x1082;
	[sflag:s4] =	ssyncset.s32 $0xFFFFF086  }
0x25: {  	[simem:s6], [sflag:s4] =	dma.local [hbm:s3], $0xF7A  }
0x26: {  	[smem:$0x3F95] =	sst s1;
	(tag) =	ssettag s2;
	_ =	strace s9  }
0x27: {  	s1 =	sld [smem:$0x3FA5]  }
0x28: {  	s2 =	sld [smem:$0x3FA6]  }
0x29: {  	s4 =	sld [smem:$0x3FA8]  }
0x2a: {  	p0 =	seq.s32 s5, $0x0;
	s5 =	sld [smem:$0x3FA9]  }
0x2b: {  	s6 =	sld [smem:$0x3FAA]  }
0x2c: {  	s7 =	sld [smem:$0x3FAB]  }
0x2d: {  	s3 =	simm.s32 $0x108;
	s8 =	sld [smem:$0x3FAC]  }
0x2e: {  	s3 =	simm.s32 @!p0 $0x1082;
	s9 =	sld [smem:$0x3FAD]  }
0x2f: {  	lr =	sadd.s32 s0, s3;
	s0 =	sld [smem:$0x3FA4]  }
0x30: {  	s3 =	sld [smem:$0x3FA7]  }
0x31: {  	[smem:$0x3FB0] =	sst s10  }
0x32: {  	s10 =	sld [smem:$0x3FAE];
	_ =	sdelay $0x3  }
0x33: {  	p0 =	seq.s32 s10, $0x1;
	s10 =	sld [smem:$0x3FB0];
	_ =	sdelay $0x3  }
0x34: {  	[smem:$0x3FB0] =	sst s10  }
0x35: {  	s10 =	sld [smem:$0x3FAF];
	_ =	sdelay $0x3  }
0x36: {  	p1 =	seq.s32 s10, $0x1;
	s10 =	sld [smem:$0x3FB0];
	_ =	sdelay $0x3  }
0x37: {  	[smem:$0x3FB0] =	sst s10  }
0x38: {  	s10 =	sld [smem:$0x3FB1]  }
0x39: {  	_ = 	snop;
	(pc) =	sbr.ind lr, $3  }
0x3a: {  	_ = 	snop  }
0x3b: {  	_ = 	snop  }
0x3c: {  	p2 =	seq.s32 s10, $0x1;
	s10 =	sld [smem:$0x3FB0]  }
0x3d: {  	_ =	shalt  }
0x3e: {  	_ =	shalt  }
0x3f: {  	_ =	shalt  }
0x40: {  	_ =	shalt  }
0x41: {  	_ =	shalt  }
0x42: {  	_ =	shalt  }
0x43: {  	_ =	shalt  }
0x44: {  	_ =	shalt  }
0x45: {  	_ =	shalt  }
0x46: {  	_ =	shalt  }
0x47: {  	_ =	shalt  }
0x48: {  	_ =	shalt  }
0x49: {  	_ =	shalt  }
0x4a: {  	_ =	shalt  }
0x4b: {  	_ =	shalt  }
0x4c: {  	_ =	shalt  }
0x4d: {  	_ =	shalt  }
0x4e: {  	_ =	shalt  }
0x4f: {  	_ =	shalt  }
0x50: {  	_ =	shalt  }
0x51: {  	_ =	shalt  }
0x52: {  	_ =	shalt  }
0x53: {  	_ =	shalt  }
0x54: {  	_ =	shalt  }
0x55: {  	_ =	shalt  }
0x56: {  	_ =	shalt  }
0x57: {  	_ =	shalt  }
0x58: {  	_ =	shalt  }
0x59: {  	_ =	shalt  }
0x5a: {  	_ =	shalt  }
0x5b: {  	_ =	shalt  }
0x5c: {  	_ =	shalt  }
0x5d: {  	_ =	shalt  }
0x5e: {  	_ =	shalt  }
0x5f: {  	_ =	shalt  }
0x60: {  	_ =	shalt  }
0x61: {  	_ =	shalt  }
0x62: {  	_ =	shalt  }
0x63: {  	_ =	shalt  }
0x64: {  	_ =	shalt  }
0x65: {  	_ =	shalt  }
0x66: {  	_ =	shalt  }
0x67: {  	_ =	shalt  }
0x68: {  	_ =	shalt  }
0x69: {  	_ =	shalt  }
0x6a: {  	_ =	shalt  }
0x6b: {  	_ =	shalt  }
0x6c: {  	_ =	shalt  }
0x6d: {  	_ =	shalt  }
0x6e: {  	_ =	shalt  }
0x6f: {  	_ =	shalt  }
0x70: {  	_ =	shalt  }
0x71: {  	_ =	shalt  }
0x72: {  	_ =	shalt  }
0x73: {  	_ =	shalt  }
0x74: {  	_ =	shalt  }
0x75: {  	_ =	shalt  }
0x76: {  	_ =	shalt  }
0x77: {  	_ =	shalt  }
0x78: {  	_ =	shalt  }
0x79: {  	_ =	shalt  }
0x7a: {  	_ =	shalt  }
0x7b: {  	_ =	shalt  }
0x7c: {  	_ =	shalt  }
0x7d: {  	_ =	shalt  }
0x7e: {  	_ =	shalt  }
0x7f: {  	_ =	shalt  }
0x80: {  	_ =	shalt  }
0x81: {  	_ =	shalt  }
0x82: {  	_ =	shalt  }
0x83: {  	_ =	shalt  }
0x84: {  	_ =	shalt  }
0x85: {  	_ =	shalt  }
0x86: {  	_ =	shalt  }
0x87: {  	_ =	shalt  }
.Lfunc_end0:
.L_simem_size_0:
called_computation_lowered:
.L_overlay_start_0:
0x88: {  	s2 =	sld [smem:$0x3FD9]  }
0x89: {  	s3 =	sld [smem:$0x3FFE];
	_ =	sdelay $0x1  }
0x8a: {  	s1 =	srdreg.scid  }
0x8b: {  	s0 =	sand.u32 $0x1, s1  }
0x8c: {  	s17 =	sshll.u32 s0, $0xA;
	s2 =	sadd.s32 s3, s2  }
0x8d: {  	s2 =	sadd.s32 s2, s17  }
0x8e: {  	[smem:$0x3FBC] =	sst s2  }
0x8f: {  	_ = 	snop  }
0x90: {  	s2 =	sld [smem:$0x3FC8];
	(tm) =	ssettm $0x1  }
0x91: {  	s18 =	sld [smem:$0x3FFB];
	_ =	sdelay $0x3  }
0x92: {  	_ =	strace s18  }
0x93: {  	s3 =	sld [smem:$0x3FFC];
	_ =	sdelay $0x3  }
0x94: {  	_ =	strace s3  }
0x95: {  	s3 =	sld [smem:$0x3FFD];
	_ =	sdelay $0x3  }
0x96: {  	_ =	strace s3  }
0x97: {  	_ =	strace $0x8FFFFFFF  }
0x98: {  	s19 =	sld [smem:$0x3FDB];
	_ =	sdelay $0x1  }
0x99: {  	s4 =	simm.s32 $_scs_section_size  }
0x9a: {  	s5 =	simm.s32 $_size__tile_overlayer_lowered;
	s6 =	simm.s32 $_tile_overlayer_lowered  }
0x9b: {  	s22 =	simm.s32 $0x1BFF;
	s21 =	sshll.u32 s6, $0x1;
	s3 =	sadd.s32 s4, s19  }
0x9c: {  	s7 =	simm.s32 $0x0;
	s20 =	sshll.u32 s5, $0x1;
	s5 =	sadd.s32 s21, s3  }
0x9d: {  	[timem:s7], [sflag:s22] =	dma.local [hbm:s5], s20  }
0x9e: {  	_ =	swait.ge [sflag:s22], s20  }
0x9f: {  	s4 =	ssub.s32 $0x0, s20;
	[sflag:s22] =	ssyncset.done $0x0  }
0xa0: {  	[sflag:s22] =	ssyncadd.s32 s4;
	_ =	sdelay $0x1  }
0xa1: {  	s23 =	simm.s32 $0x1B8B  }
0xa2: {  	_ =	swait.ge [sflag:s23], $0x1  }
0xa3: {  	[sflag:s23] =	ssyncset.done $0x0  }
0xa4: {  	s25 =	simm.s32 $0x1B8E;
	s24 =	sld [smem:$0x3FFE];
	[sflag:s23] =	ssyncadd.s32 $0xFFFFFFFF  }
0xa5: {  	s26 =	simm.s32 $execute0_lowered;
	[smem:$0x3FD2] =	sst s25  }
0xa6: {  	s5 =	sshll.u32 s26, $0x1;
	_ =	strace $0x80000046;
	[dreg:$0x1] =	wrdreg $0xFFFFFFFF  }
0xa7: {  	s28 =	simm.s32 $_size_execute0_lowered;
	s3 =	sadd.s32 s3, s5;
	[dreg:$0x0] =	wrdreg $0x0  }
0xa8: {  	s5 =	sshll.u32 s28, $0x1;
	[dreg:$0x2] =	wrdreg s3  }
0xa9: {  	[dreg:$0x3] =	wrdreg s5  }
0xaa: {  	[dreg:$0x4] =	wrdreg $0xC0  }
0xab: {  	_ =	task [dreg:s7], $0x5FFFF  }
0xac: {  	[dreg:$0x1] =	wrdreg $0xFFFFFFFF  }
0xad: {  	[dreg:$0x0] =	wrdreg $0x60  }
0xae: {  	[dreg:$0x2] =	wrdreg s2  }
0xaf: {  	[dreg:$0x3] =	wrdreg s24  }
0xb0: {  	[dreg:$0x4] =	wrdreg $0x9  }
0xb1: {  	_ =	task.clear_ibuf [dreg:s7], $0x5FFFF;
	_ =	strace $0x90000046  }
0xb2: {  	s29 =	simm.s32 $0x9;
	_ =	strace $0x80000048  }
0xb3: {  	_ =	swait.ge [sflag:s29], $0x1  }
0xb4: {  	[sflag:s29] =	ssyncadd.s32 $0xFFFFFFFF  }
0xb5: {  	_ =	strace $0x90000048  }
0xb6: {  	_ =	sfence  }
0xb7: {  	s30 =	sld [smem:$0x0];
	_ =	sdelay $0x2  }
0xb8: {  	s31 =	sshll.u32 s1, $0xD;
	s1 =	sshrl.u32 s1, $0x2  }
0xb9: {  	s3 =	sand.u32 $0x4000, s31;
	s1 =	sadd.s32 s1, s30  }
0xba: {  	s0 =	sor.u32 s3, s0;
	s1 =	sshll.u32 s1, $0x11  }
0xbb: {  	s0 =	sor.u32 s1, s0  }
0xbc: {  	s0 =	sadd.s32 $0x8F2B, s0  }
0xbd: {  	[sflag:s0] =	ssyncadd.remote.s32 $0x1  }
0xbe: {  	_ =	sfence.sel $0xFFFF  }
0xbf: {  	[dreg:$0x0] =	wrdreg $0xFFFFFFFF;
	(pc) =	sbr.abs _section_cstart, $3  }
0xc0: {  	[dreg:$0x1] =	wrdreg $0xFFFFFFFF  }
0xc1: {  	_ =	task.clear_ibuf [dreg:s7], $0x2FFFF;
	_ =	strace $0x9FFFFFFF  }
0xc2: {  	(tm) =	ssettm $0x7FFFFFFF  }
0xc3: {  	_ =	shalt  }
tec
execute0_lowered:
.L_overlay_start_1:
0x0: {  	(tag) =	ssettag $0x1  }
0x1: {  	s3 =	rddreg [dreg:$0x0]  }
0x2: {  	s4 =	rddreg [dreg:$0x1]  }
0x3: {  	s0 =	rddreg [dreg:$0x2]  }
0x4: {  	s2 =	simm.s32 $0x0;
	s5 =	srdreg.scid;
	s1 =	stileid.u32  }
0x5: {  	v0 =	vlaneseq.u32;
	s9 =	simm.s32 $0x0;
	s5 =	sand.u32 $0x1, s5;
	s6 =	sshll.u32 s1, $0x1  }
0x6: {  	[smem:$0x7FF] =	sst s2;
	v0 =	vmul.u32 $0x8, v0;
	s6 =	sor.u32 s5, s6;
	s5 =	ssub.s32 $0x2, s5  }
0x7: {  	_ =	strace $0x80000047;
	s7 =	sshll.u32 s6, $0xC;
	s8 =	sshrl.u32 s5, $0x1  }
0x8: {  	s6 =	sshll.u32 s6, $0x9;
	v1 =	vor.u32 $0x1, v0;
	s7 =	sadd.s32 s7, s4;
	s8 =	ssub.s32 s5, s8  }
0x9: {  	v2 =	vor.u32 $0x2, v0;
	v3 =	vor.u32 $0x3, v0;
	v4 =	vor.u32 $0x4, v0;
	s3 =	sadd.s32 s3, s6;
	s4 =	sadd.s32 s4, s6;
	s5 =	sadd.s32 $0x4000, s7  }
0xa: {  	v5 =	vor.u32 $0x5, v0;
	v6 =	vor.u32 $0x6, v0;
	v7 =	vor.u32 $0x7, v0;
	s6 =	smax.u32 s8, $0x1;
	s7 =	simm.s32 $0x1;
	s8 =	simm.s32 $0x2000  }
.LBB2_1:
0xb: {  	[tilespmem:s2], [sflag:$0x1] =	stream.linear.gather [hbm4b:s3+s2], $0x1000, $0x38;
	[tilespmem:$0xA000] =	vst v63  }
0xc: {  	_ =	swait.ge [sflag:s7], $0x1000  }
0xd: {  	[sflag:s7] =	ssyncset.done $0x0  }
0xe: {  	s10 =	simm.s32 $0x1000;
	[sflag:s7] =	ssyncadd.s32 $0xFFFFF000  }
0xf: {  	[tilespmem:s10], [sflag:$0x1] =	stream.linear.gather [hbm4b:s4+s2], $0x1000, $0x38;
	[tilespmem:$0xA000] =	vst v63  }
0x10: {  	_ =	swait.ge [sflag:s7], $0x1000  }
0x11: {  	[sflag:s7] =	ssyncset.done $0x0  }
0x12: {  	[sflag:s7] =	ssyncadd.s32 $0xFFFFF000  }
0x13: {  	v8 =	vld [tilespmem:s10+$0x0];
	_ =	sdelay $0x7  }
0x14: {  	v10 =	vor.u32 s2, v0;
	v9 =	vld.idx.msk [tilespmem:v8+s2+$0x0], $0xffff  }
0x15: {  	v11 =	vadd.s32 $0x1, v8;
	_ =	sdelay $0x3  }
0x16: {  	[tilespmem:v10+s8+$0x0] =	vst.idx.msk $0xffff, v9  }
0x17: {  	v10 =	vor.u32 s2, v1;
	v9 =	vld.idx.msk [tilespmem:v11+s2+$0x0], $0xffff  }
0x18: {  	v11 =	vadd.s32 $0x2, v8;
	_ =	sdelay $0x3  }
0x19: {  	[tilespmem:v10+s8+$0x0] =	vst.idx.msk $0xffff, v9  }
0x1a: {  	v10 =	vor.u32 s2, v2;
	v9 =	vld.idx.msk [tilespmem:v11+s2+$0x0], $0xffff  }
0x1b: {  	v11 =	vadd.s32 $0x3, v8;
	_ =	sdelay $0x3  }
0x1c: {  	[tilespmem:v10+s8+$0x0] =	vst.idx.msk $0xffff, v9  }
0x1d: {  	v10 =	vor.u32 s2, v3;
	v9 =	vld.idx.msk [tilespmem:v11+s2+$0x0], $0xffff  }
0x1e: {  	v11 =	vadd.s32 $0x4, v8;
	_ =	sdelay $0x3  }
0x1f: {  	[tilespmem:v10+s8+$0x0] =	vst.idx.msk $0xffff, v9  }
0x20: {  	v10 =	vor.u32 s2, v4;
	v9 =	vld.idx.msk [tilespmem:v11+s2+$0x0], $0xffff  }
0x21: {  	v11 =	vadd.s32 $0x5, v8;
	_ =	sdelay $0x3  }
0x22: {  	[tilespmem:v10+s8+$0x0] =	vst.idx.msk $0xffff, v9  }
0x23: {  	v10 =	vor.u32 s2, v5;
	v9 =	vld.idx.msk [tilespmem:v11+s2+$0x0], $0xffff  }
0x24: {  	v11 =	vadd.s32 $0x6, v8;
	_ =	sdelay $0x3  }
0x25: {  	[tilespmem:v10+s8+$0x0] =	vst.idx.msk $0xffff, v9  }
0x26: {  	v10 =	vor.u32 s2, v6;
	v9 =	vld.idx.msk [tilespmem:v11+s2+$0x0], $0xffff  }
0x27: {  	v8 =	vadd.s32 $0x7, v8;
	_ =	sdelay $0x3  }
0x28: {  	[tilespmem:v10+s8+$0x0] =	vst.idx.msk $0xffff, v9  }
0x29: {  	s11 =	simm.s32 $0x80;
	v9 =	vor.u32 s2, v7;
	v8 =	vld.idx.msk [tilespmem:v8+s2+$0x0], $0xffff  }
.LBB2_2:
0x2a: {  	_ =	sdelay $0x2  }
0x2b: {  	p0 =	sne.s32 s11, $0x7F80  }
0x2c: {  	s10 =	sadd.s32 $0x10, s10;
	s12 =	smov.u32 s11;
	s11 =	sadd.s32 $0x80, s11;
	[tilespmem:v9+s8+$0x0] =	vst.idx.msk $0xffff, v8  }
0x2d: {  	v8 =	vld [tilespmem:s10+$0x0];
	_ =	sdelay $0x7  }
0x2e: {  	v9 =	vld.idx.msk [tilespmem:v8+s2+$0x0], $0xffff  }
0x2f: {  	v10 =	vor.u32 s12, v0  }
0x30: {  	v11 =	vadd.s32 $0x1, v8;
	_ =	sdelay $0x3  }
0x31: {  	[tilespmem:v10+s8+$0x0] =	vst.idx.msk $0xffff, v9  }
0x32: {  	v9 =	vld.idx.msk [tilespmem:v11+s2+$0x0], $0xffff  }
0x33: {  	v10 =	vor.u32 s12, v1  }
0x34: {  	v11 =	vadd.s32 $0x2, v8;
	_ =	sdelay $0x3  }
0x35: {  	[tilespmem:v10+s8+$0x0] =	vst.idx.msk $0xffff, v9  }
0x36: {  	v9 =	vld.idx.msk [tilespmem:v11+s2+$0x0], $0xffff  }
0x37: {  	v10 =	vor.u32 s12, v2  }
0x38: {  	v11 =	vadd.s32 $0x3, v8;
	_ =	sdelay $0x3  }
0x39: {  	[tilespmem:v10+s8+$0x0] =	vst.idx.msk $0xffff, v9  }
0x3a: {  	v9 =	vld.idx.msk [tilespmem:v11+s2+$0x0], $0xffff  }
0x3b: {  	v10 =	vor.u32 s12, v3  }
0x3c: {  	v11 =	vadd.s32 $0x4, v8;
	_ =	sdelay $0x3  }
0x3d: {  	[tilespmem:v10+s8+$0x0] =	vst.idx.msk $0xffff, v9  }
0x3e: {  	v9 =	vld.idx.msk [tilespmem:v11+s2+$0x0], $0xffff  }
0x3f: {  	v10 =	vor.u32 s12, v4  }
0x40: {  	v11 =	vadd.s32 $0x5, v8;
	_ =	sdelay $0x3  }
0x41: {  	[tilespmem:v10+s8+$0x0] =	vst.idx.msk $0xffff, v9  }
0x42: {  	v9 =	vld.idx.msk [tilespmem:v11+s2+$0x0], $0xffff  }
0x43: {  	v10 =	vor.u32 s12, v5  }
0x44: {  	v11 =	vadd.s32 $0x6, v8;
	_ =	sdelay $0x3  }
0x45: {  	[tilespmem:v10+s8+$0x0] =	vst.idx.msk $0xffff, v9  }
0x46: {  	v9 =	vld.idx.msk [tilespmem:v11+s2+$0x0], $0xffff  }
0x47: {  	v10 =	vor.u32 s12, v6  }
0x48: {  	v8 =	vadd.s32 $0x7, v8;
	_ =	sdelay $0x1  }
.Ltmp0:
0x49: {  	(pc) =	sbr.rel @p0 .LBB2_2-.Ltmp0, $4  }
0x4a: {  	_ = 	snop  }
0x4b: {  	[tilespmem:v10+s8+$0x0] =	vst.idx.msk $0xffff, v9  }
0x4c: {  	v8 =	vld.idx.msk [tilespmem:v8+s2+$0x0], $0xffff  }
0x4d: {  	v9 =	vor.u32 s12, v7  }
0x4e: {  	_ =	sdelay $0x1  }
0x4f: {  	s9 =	sadd.s32 $0x1, s9  }
0x50: {  	p0 =	sne.s32 s9, s6  }
.Ltmp1:
0x51: {  	[tilespmem:v9+s8+$0x0] =	vst.idx.msk $0xffff, v8;
	(pc) =	sbr.rel @p0 .LBB2_1-.Ltmp1, $4  }
0x52: {  	[hbm4b:s5+s2] =	stream.linear.scatter [tilespmem:s8], [sflag:$0x1], $0x8000, $0x38;
	[tilespmem:$0xA000] =	vst v63  }
0x53: {  	_ =	swait.ge [sflag:s7], $0x8000  }
0x54: {  	[sflag:s7] =	ssyncset.done $0x0  }
0x55: {  	[sflag:s7] =	ssyncadd.s32 $0xFFFF8000  }
0x56: {  	_ =	sfence.sel $0x180000  }
0x57: {  	[bflag:$0x0] =	sbarrier.arrive $0xFFFF  }
0x58: {  	p0 =	sne.s32 s1, $0x0;
	_ =	strace $0x90000047  }
0x59: {  	s0 =	sadd.s32 @!p0 $0x100000, s0;
	[bflag:$0x2] =	sbarrier.arrive $0xFFFF  }
0x5a: {  	[sflag:s0] =	ssyncadd.tile.s32 @!p0 $0x1;
	_ =	shalt  }
.Lfunc_end2:
_tile_overlayer_lowered:
.L_overlay_start_2:
0x5b: {  	(tag) =	ssettag $0x2  }
0x5c: {  	s0 =	rddreg [dreg:$0x0];
	s2 =	stileid.u32  }
0x5d: {  	s1 =	rddreg [dreg:$0x1];
	p0 =	sne.s32 s2, $0x0  }
0x5e: {  	s3 =	rddreg [dreg:$0x2];
	[bflag:$0x3] =	sbarrier.arrive $0xFFFF;
	s2 =	simm.s32 @!p0 $0x1C01  }
0x5f: {  	[timem:s3], [sflag:s2] =	dma.local @!p0 [hbm:s0], s1  }
0x60: {  	s0 =	simm.s32 @!p0 $0x1  }
0x61: {  	_ =	swait.ge @!p0 [sflag:s0], s1  }
0x62: {  	s1 =	ssub.s32 @!p0 $0x0, s1;
	[sflag:s0] =	ssyncset.done @!p0 $0x0  }
0x63: {  	[sflag:s0] =	ssyncadd.s32 @!p0 s1  }
0x64: {  	[bflag:$0x3] =	sbarrier.arrive $0xFFFF  }
0x65: {  	_ =	shalt  }

</sc_bundles>
